<compile_context>
chip_gen: v7x
topology: tpu7x:2x2x1
jax: 0.10.2.dev20260603
libtpu: 0.0.44.dev20260713+nightly
codegen_flags: <defaults>
</compile_context>

<pallas_src>
import functools

import jax
import jax.numpy as jnp
from jax import lax
from jax.experimental import pallas as pl
from jax.experimental.pallas import tpu as pltpu
from jax.experimental.pallas import tpu_sc as plsc

_INCREASE_DELTA = 0.05
_ABS_THRESHOLD = 0.8

_B = 16
_S = 4096
_L = 16
_NCHUNK = _S // _L
_PAD = _L
_NEG = -3e38
_POS = 3e38


def _seg_body(ent_hbm, res_hbm, row_v, res_v):
    wid = lax.axis_index("s")

    rb = wid * _S
    row_v[pl.ds(0, _L)] = jnp.full((_L,), _NEG, jnp.float32)
    pltpu.sync_copy(ent_hbm.at[pl.ds(rb, _S)], row_v.at[pl.ds(_PAD, _S)])

    lane = lax.iota(jnp.int32, _L)

    def chunk(i, carry):
        carry_sum, carry_max = carry
        base = _PAD + i * _L
        prev = row_v[pl.ds(base - 1, _L)]
        e = row_v[pl.ds(base, _L)]
        inc = (e > prev + _INCREASE_DELTA) | (e > _ABS_THRESHOLD)
        inc_i = inc.astype(jnp.int32)
        off = i * _L
        res_v[pl.ds(off, _L)] = plsc.cumsum(inc_i) + carry_sum
        fp = jnp.where(inc, off + lane, 0)
        res_v[pl.ds(_S + off, _L)] = jnp.maximum(plsc.cummax(fp), carry_max)
        cnt = plsc.all_reduce_population_count(inc)
        ffs = plsc.all_reduce_ffs(lax.rev(inc_i, (0,)) != 0)
        new_max = jnp.where(cnt > 0, (off + 15) - ffs, carry_max)
        return carry_sum + cnt, new_max

    lax.fori_loop(
        0, _NCHUNK, chunk,
        (jnp.full((_L,), -1, jnp.int32), jnp.zeros((_L,), jnp.int32)),
    )

    pltpu.sync_copy(res_v, res_hbm.at[pl.ds(wid * (2 * _S), 2 * _S)])


def _stage_in_body(ent_ref, pem_ref, flat_ref):
    e = ent_ref[...]
    nxt = jnp.concatenate(
        [e[:, 1:], jnp.full((8, 1), _POS, jnp.float32)], axis=1
    )
    pem_ref[...] = (nxt > e + _INCREASE_DELTA) | (nxt > _ABS_THRESHOLD)
    flat_ref[...] = e.reshape(8 * _S)


def _stage_out_body(res_ref, seg_ref, fb_ref):
    x = res_ref[...].reshape(8, 2, _S)
    seg_ref[...] = x[:, 0, :]
    fb_ref[...] = x[:, 1, :]


@jax.jit
def _segmenter(entropy_bits):
    pem, ent_flat = pl.pallas_call(
        _stage_in_body,
        grid=(2,),
        in_specs=[pl.BlockSpec((8, _S), lambda w: (w, 0))],
        out_specs=(
            pl.BlockSpec((8, _S), lambda w: (w, 0)),
            pl.BlockSpec((8 * _S,), lambda w: (w,)),
        ),
        out_shape=(
            jax.ShapeDtypeStruct((_B, _S), jnp.bool_),
            jax.ShapeDtypeStruct((_B * _S,), jnp.float32),
        ),
    )(entropy_bits)

    mesh = plsc.VectorSubcoreMesh(
        core_axis_name="c", subcore_axis_name="s", num_cores=1, num_subcores=16
    )
    run = functools.partial(
        pl.kernel,
        out_type=jax.ShapeDtypeStruct((_B * 2 * _S,), jnp.int32),
        mesh=mesh,
        compiler_params=pltpu.CompilerParams(
            needs_layout_passes=False, skip_device_barrier=True
        ),
        scratch_types=[
            pltpu.VMEM((_PAD + _S,), jnp.float32),
            pltpu.VMEM((2 * _S,), jnp.int32),
        ],
    )(_seg_body)
    res = run(ent_flat)

    seg, fb = pl.pallas_call(
        _stage_out_body,
        grid=(2,),
        in_specs=[pl.BlockSpec((8 * 2 * _S,), lambda w: (w,))],
        out_specs=(
            pl.BlockSpec((8, _S), lambda w: (w, 0)),
            pl.BlockSpec((8, _S), lambda w: (w, 0)),
        ),
        out_shape=(
            jax.ShapeDtypeStruct((_B, _S), jnp.int32),
            jax.ShapeDtypeStruct((_B, _S), jnp.int32),
        ),
    )(res)
    return seg, pem, fb


def kernel(entropy_bits):
    return _segmenter(entropy_bits)

# --- scband reference (transcript-rebuilt; emitter-appended) ---
"""Pipeline reference for scband-segmenter-13580686590436 (READ-ONLY COPY).

The authoritative reference and input builder live on the scoring server;
editing this copy changes nothing except your own understanding.
"""

import jax, jax.numpy as jnp
import numpy as np

INCREASE_DELTA = 0.05
ABS_THRESHOLD = 0.8


def entropy_segments(ent, increase_delta, abs_threshold):
    # New segment starts at t>0 when entropy rises by more than increase_delta
    # over the previous token, or exceeds abs_threshold (BLT-style entropy patching).
    B, S = ent.shape
    inc = ent[:, 1:] > (ent[:, :-1] + increase_delta)
    if abs_threshold is not None:
        inc = inc | (ent[:, 1:] > abs_threshold)
    start = jnp.concatenate([jnp.ones((B, 1), dtype=bool), inc], axis=1)
    seg_id = jnp.cumsum(start.astype(jnp.int32), axis=1) - 1
    # a patch ends right before the next start; last position always ends a patch
    patch_end_mask = jnp.concatenate([start[:, 1:], jnp.ones((B, 1), dtype=bool)], axis=1)
    return seg_id, patch_end_mask


def setup_inputs(seed: int = 0) -> dict:
    key = jax.random.key(seed)
    entropy_bits = jax.random.uniform(key, (16, 4096), dtype=jnp.float32)
    return {"entropy_bits": entropy_bits}


def reference(entropy_bits):
    seg_id, patch_end_mask = entropy_segments(entropy_bits, INCREASE_DELTA, ABS_THRESHOLD)
    B, S = seg_id.shape
    idx = jnp.broadcast_to(jnp.arange(S, dtype=jnp.int32)[None, :], (B, S))
    is_start = jnp.concatenate(
        [jnp.ones((B, 1), dtype=bool), seg_id[:, 1:] != seg_id[:, :-1]], axis=1
    )
    first_pos = jnp.where(is_start, idx, jnp.zeros_like(idx))
    first_byte_idx = jax.lax.cummax(first_pos, axis=1)
    return seg_id, patch_end_mask, first_byte_idx

if __name__ == "__main__":
    import jax
    _d = setup_inputs()
    print(jax.jit(kernel)(*tuple(_d.values())))

</pallas_src>

<mosaic_0001>
#map = affine_map<(d0, d1) -> (0)>
module attributes {stable_mosaic.version = 14 : i64} {
  func.func @_seg_body(%arg0: i32, %arg1: i32, %arg2: memref<65536xf32, #tpu.memory_space<hbm>>, %arg3: memref<131072xi32, #tpu.memory_space<hbm>>, %arg4: memref<4112xf32, #tpu.memory_space<vmem>>, %arg5: memref<8192xi32, #tpu.memory_space<vmem>>) attributes {dimension_semantics = [#tpu.dimension_semantics<core_parallel>, #tpu.dimension_semantics<subcore_parallel>], iteration_bounds = array<i64: 1, 16>, scalar_prefetch = 0 : i64, scratch_operands = 2 : i64, tpu.core_type = #tpu.core_type<sc_vector_subcore>, window_params = [{transform_indices = #map}, {transform_indices = #map}]} {
    %mul3A = arith.constant 4096 : i32
    %mul3A_0 = arith.muli %arg1, %mul3A : i32
    %broadcast_in_dim3A = arith.constant -3.000000e+38 : f32
    %broadcast_in_dim3A_1 = vector.broadcast %broadcast_in_dim3A : f32 to vector<16xf32>
    %swap3A = arith.constant 0 : index
    %swap3A_2 = tpu.vector_load %arg4[%swap3A] {strides = array<i32>} : memref<4112xf32, #tpu.memory_space<vmem>>, vector<16xf32>,
    tpu.vector_store %arg4[%swap3A], %broadcast_in_dim3A_1 {strides = array<i32>} : memref<4112xf32, #tpu.memory_space<vmem>>, vector<16xf32>,
    "tpu.region"() ({
      %run_scoped3A = tpu.sem_alloc : memref<!tpu.dma_semaphore, #tpu.memory_space<semaphore_mem>>
      %dma_start3A = arith.constant 16 : i32
      %dma_start3A_14 = tpu.memref_slice %arg4[%dma_start3A] : memref<4112xf32, #tpu.memory_space<vmem>> -> memref<4096xf32, #tpu.memory_space<vmem>>
      %dma_start3A_15 = tpu.memref_slice %arg2[%mul3A_0] : memref<65536xf32, #tpu.memory_space<hbm>> -> memref<4096xf32, #tpu.memory_space<hbm>>
      %dma_start3A_16 = arith.constant 16 : i32
      %dma_start3A_17 = tpu.memref_slice %arg4[%dma_start3A_16] : memref<4112xf32, #tpu.memory_space<vmem>> -> memref<4096xf32, #tpu.memory_space<vmem>>
      %dma_start3A_18 = tpu.memref_slice %arg2[%mul3A_0] : memref<65536xf32, #tpu.memory_space<hbm>> -> memref<4096xf32, #tpu.memory_space<hbm>>
      tpu.enqueue_dma source(%dma_start3A_18 : memref<4096xf32, #tpu.memory_space<hbm>>) target(%dma_start3A_17 : memref<4096xf32, #tpu.memory_space<vmem>>) target_semaphore(%run_scoped3A : memref<!tpu.dma_semaphore, #tpu.memory_space<semaphore_mem>>)
      %dma_wait3A = arith.constant 16 : i32
      %dma_wait3A_19 = tpu.memref_slice %arg4[%dma_wait3A] : memref<4112xf32, #tpu.memory_space<vmem>> -> memref<4096xf32, #tpu.memory_space<vmem>>
      %dma_wait3A_20 = tpu.memref_slice %arg2[%mul3A_0] : memref<65536xf32, #tpu.memory_space<hbm>> -> memref<4096xf32, #tpu.memory_space<hbm>>
      %dma_wait3A_21 = arith.constant 16 : i32
      %dma_wait3A_22 = tpu.memref_slice %arg4[%dma_wait3A_21] : memref<4112xf32, #tpu.memory_space<vmem>> -> memref<4096xf32, #tpu.memory_space<vmem>>
      %dma_wait3A_23 = tpu.memref_slice %arg2[%mul3A_0] : memref<65536xf32, #tpu.memory_space<hbm>> -> memref<4096xf32, #tpu.memory_space<hbm>>
      tpu.wait_dma2 semaphore(%run_scoped3A : memref<!tpu.dma_semaphore, #tpu.memory_space<semaphore_mem>>) src(%dma_wait3A_23 : memref<4096xf32, #tpu.memory_space<hbm>>) dst(%dma_wait3A_22 : memref<4096xf32, #tpu.memory_space<vmem>>)
      tpu.yield
    }) : () -> ()
    %iota3A = tpu.iota {dimensions = array<i32: 0>} : vector<16xi32>
    %broadcast_in_dim3A_3 = arith.constant -1 : i32
    %broadcast_in_dim3A_4 = vector.broadcast %broadcast_in_dim3A_3 : i32 to vector<16xi32>
    %broadcast_in_dim3A_5 = arith.constant 0 : i32
    %broadcast_in_dim3A_6 = vector.broadcast %broadcast_in_dim3A_5 : i32 to vector<16xi32>
    %scan3A = arith.constant 0 : i32
    %scan3A_7 = arith.constant 256 : i32
    %scan3A_8 = arith.addi %scan3A, %scan3A_7 : i32
    %scan3A_9 = arith.constant 1 : i32
    %scan3A_10:2 = scf.for %scan3A_14 = %scan3A to %scan3A_8 step %scan3A_9 iter_args(%scan3A_15 = %broadcast_in_dim3A_4, %scan3A_16 = %broadcast_in_dim3A_6) -> (vector<16xi32>, vector<16xi32>)  : i32 {
      %mul3A_17 = arith.constant 16 : i32
      %mul3A_18 = arith.muli %scan3A_14, %mul3A_17 : i32
      %add3A = arith.constant 16 : i32
      %add3A_19 = arith.addi %add3A, %mul3A_18 : i32
      %sub3A = arith.constant 1 : i32
      %sub3A_20 = arith.subi %add3A_19, %sub3A : i32
      %get3A = arith.index_cast %sub3A_20 : i32 to index
      %get3A_21 = tpu.vector_load %arg4[%get3A] {strides = array<i32>} : memref<4112xf32, #tpu.memory_space<vmem>>, vector<16xf32>,
      %get3A_22 = arith.index_cast %add3A_19 : i32 to index
      %get3A_23 = tpu.vector_load %arg4[%get3A_22] {strides = array<i32>} : memref<4112xf32, #tpu.memory_space<vmem>>, vector<16xf32>,
      %add3A_24 = arith.constant 5.000000e-02 : f32
      %add3A_25 = vector.broadcast %add3A_24 : f32 to vector<16xf32>
      %add3A_26 = arith.addf %get3A_21, %add3A_25 : vector<16xf32>
      %gt3A = arith.cmpf ogt, %get3A_23, %add3A_26 : vector<16xf32>
      %gt3A_27 = arith.constant 8.000000e-01 : f32
      %gt3A_28 = vector.broadcast %gt3A_27 : f32 to vector<16xf32>
      %gt3A_29 = arith.cmpf ogt, %get3A_23, %gt3A_28 : vector<16xf32>
      %or3A = arith.ori %gt3A, %gt3A_29 : vector<16xi1>
      %convert_element_type3A = arith.extui %or3A : vector<16xi1> to vector<16xi32>
      %mul3A_30 = arith.constant 16 : i32
      %mul3A_31 = arith.muli %scan3A_14, %mul3A_30 : i32
      %broadcast_in_dim3A_32 = arith.constant true
      %broadcast_in_dim3A_33 = vector.broadcast %broadcast_in_dim3A_32 : i1 to vector<16xi1>
      %masked_cumsum3A = tpu.scan <sum>, %convert_element_type3A masked %broadcast_in_dim3A_33 : vector<16xi32>, vector<16xi1> -> vector<16xi32>
      %add3A_34 = arith.addi %masked_cumsum3A, %scan3A_15 : vector<16xi32>
      %swap3A_35 = arith.index_cast %mul3A_31 : i32 to index
      %swap3A_36 = tpu.vector_load %arg5[%swap3A_35] {strides = array<i32>} : memref<8192xi32, #tpu.memory_space<vmem>>, vector<16xi32>,
      tpu.vector_store %arg5[%swap3A_35], %add3A_34 {strides = array<i32>} : memref<8192xi32, #tpu.memory_space<vmem>>, vector<16xi32>,
      %add3A_37 = vector.broadcast %mul3A_31 : i32 to vector<16xi32>
      %add3A_38 = arith.addi %add3A_37, %iota3A : vector<16xi32>
      %jit3A = arith.constant 0 : i32
      %broadcast_in_dim3A_39 = vector.broadcast %jit3A : i32 to vector<16xi32>
      %select_n3A = arith.select %or3A, %add3A_38, %broadcast_in_dim3A_39 : vector<16xi1>, vector<16xi32>
      %broadcast_in_dim3A_40 = arith.constant true
      %broadcast_in_dim3A_41 = vector.broadcast %broadcast_in_dim3A_40 : i1 to vector<16xi1>
      %masked_cummax3A = arith.constant -2147483648 : i32
      %masked_cummax3A_42 = vector.broadcast %masked_cummax3A : i32 to vector<16xi32>
      %masked_cummax3A_43 = arith.xori %select_n3A, %masked_cummax3A_42 : vector<16xi32>
      %masked_cummax3A_44 = tpu.scan <max>, %masked_cummax3A_43 masked %broadcast_in_dim3A_41 : vector<16xi32>, vector<16xi1> -> vector<16xi32>
      %masked_cummax3A_45 = arith.xori %masked_cummax3A_44, %masked_cummax3A_42 : vector<16xi32>
      %max3A = arith.maxsi %masked_cummax3A_45, %scan3A_16 : vector<16xi32>
      %add3A_46 = arith.constant 4096 : i32
      %add3A_47 = arith.addi %add3A_46, %mul3A_31 : i32
      %swap3A_48 = arith.index_cast %add3A_47 : i32 to index
      %swap3A_49 = tpu.vector_load %arg5[%swap3A_48] {strides = array<i32>} : memref<8192xi32, #tpu.memory_space<vmem>>, vector<16xi32>,
      tpu.vector_store %arg5[%swap3A_48], %max3A {strides = array<i32>} : memref<8192xi32, #tpu.memory_space<vmem>>, vector<16xi32>,
      %all_reduce_population_count3A = tpu.all_reduce %or3A {dim = 0 : i64, kind = #tpu.reduction_kind<sum>} : vector<16xi1> -> vector<16xi32>
      %rev3A = arith.constant 15 : i32
      %rev3A_50 = vector.broadcast %rev3A : i32 to vector<16xi32>
      %rev3A_51 = tpu.iota {dimensions = array<i32: 0>} : vector<16xi32>
      %rev3A_52 = arith.subi %rev3A_50, %rev3A_51 : vector<16xi32>
      %rev3A_53 = tpu.dynamic_gather %convert_element_type3A[%rev3A_52] in [0] : vector<16xi32>, vector<16xi32> -> vector<16xi32>
      %ne3A = arith.constant 0 : i32
      %ne3A_54 = vector.broadcast %ne3A : i32 to vector<16xi32>
      %ne3A_55 = arith.cmpi ne, %rev3A_53, %ne3A_54 : vector<16xi32>
      %all_reduce_ffs3A = tpu.all_reduce %ne3A_55 {dim = 0 : i64, kind = #tpu.reduction_kind<find_first_set>} : vector<16xi1> -> vector<16xi32>
      %gt3A_56 = arith.constant 0 : i32
      %gt3A_57 = vector.broadcast %gt3A_56 : i32 to vector<16xi32>
      %gt3A_58 = arith.cmpi sgt, %all_reduce_population_count3A, %gt3A_57 : vector<16xi32>
      %add3A_59 = arith.constant 15 : i32
      %add3A_60 = arith.addi %mul3A_31, %add3A_59 : i32
      %sub3A_61 = vector.broadcast %add3A_60 : i32 to vector<16xi32>
      %sub3A_62 = arith.subi %sub3A_61, %all_reduce_ffs3A : vector<16xi32>
      %select_n3A_63 = arith.select %gt3A_58, %sub3A_62, %scan3A_16 : vector<16xi1>, vector<16xi32>
      %add3A_64 = arith.addi %scan3A_15, %all_reduce_population_count3A : vector<16xi32>
      scf.yield %add3A_64, %select_n3A_63 : vector<16xi32>, vector<16xi32>
    }
    %scan3A_11 = arith.constant 256 : i32
    %mul3A_12 = arith.constant 8192 : i32
    %mul3A_13 = arith.muli %arg1, %mul3A_12 : i32
    "tpu.region"() ({
      %run_scoped3A = tpu.sem_alloc : memref<!tpu.dma_semaphore, #tpu.memory_space<semaphore_mem>>
      %dma_start3A = tpu.memref_slice %arg3[%mul3A_13] : memref<131072xi32, #tpu.memory_space<hbm>> -> memref<8192xi32, #tpu.memory_space<hbm>>
      %dma_start3A_14 = tpu.memref_slice %arg3[%mul3A_13] : memref<131072xi32, #tpu.memory_space<hbm>> -> memref<8192xi32, #tpu.memory_space<hbm>>
      tpu.enqueue_dma source(%arg5 : memref<8192xi32, #tpu.memory_space<vmem>>) target(%dma_start3A_14 : memref<8192xi32, #tpu.memory_space<hbm>>) target_semaphore(%run_scoped3A : memref<!tpu.dma_semaphore, #tpu.memory_space<semaphore_mem>>)
      %dma_wait3A = tpu.memref_slice %arg3[%mul3A_13] : memref<131072xi32, #tpu.memory_space<hbm>> -> memref<8192xi32, #tpu.memory_space<hbm>>
      %dma_wait3A_15 = tpu.memref_slice %arg3[%mul3A_13] : memref<131072xi32, #tpu.memory_space<hbm>> -> memref<8192xi32, #tpu.memory_space<hbm>>
      tpu.wait_dma2 semaphore(%run_scoped3A : memref<!tpu.dma_semaphore, #tpu.memory_space<semaphore_mem>>) src(%arg5 : memref<8192xi32, #tpu.memory_space<vmem>>) dst(%dma_wait3A_15 : memref<8192xi32, #tpu.memory_space<hbm>>)
      tpu.yield
    }) : () -> ()
    return
  }
}

module attributes {stable_mosaic.version = 14 : i64} {
  func.func @_stage_out_body(%arg0: i32, %arg1: memref<65536xi32, #tpu.memory_space<vmem>>, %arg2: memref<8x4096xi32, #tpu.memory_space<vmem>>, %arg3: memref<8x4096xi32, #tpu.memory_space<vmem>>) attributes {dimension_semantics = [#tpu.dimension_semantics<arbitrary>], iteration_bounds = array<i64: 2>, scalar_prefetch = 0 : i64, scratch_operands = 0 : i64, tpu.core_type = #tpu.core_type<tc>, window_params = [{transform_indices = @transform_0, window_bounds = array<i64: 65536>}, {transform_indices = @transform_1, window_bounds = array<i64: 8, 4096>}, {transform_indices = @transform_2, window_bounds = array<i64: 8, 4096>}]} {
    %get3A = arith.constant 0 : index
    %get3A_0 = vector.load %arg1[%get3A] : memref<65536xi32, #tpu.memory_space<vmem>>, vector<65536xi32>
    %reshape3A = vector.shape_cast %get3A_0 : vector<65536xi32> to vector<8x2x4096xi32>
    %slice3A = vector.extract_strided_slice %reshape3A {offsets = [0, 0, 0], sizes = [8, 1, 4096], strides = [1, 1, 1]} : vector<8x2x4096xi32> to vector<8x1x4096xi32>
    %squeeze3A = vector.shape_cast %slice3A : vector<8x1x4096xi32> to vector<8x4096xi32>
    %swap3A = arith.constant 0 : index
    %swap3A_1 = arith.constant 0 : index
    %swap3A_2 = vector.load %arg2[%swap3A, %swap3A_1] : memref<8x4096xi32, #tpu.memory_space<vmem>>, vector<8x4096xi32>
    tpu.vector_store %arg2[%swap3A, %swap3A_1], %squeeze3A {strides = array<i32>} : memref<8x4096xi32, #tpu.memory_space<vmem>>, vector<8x4096xi32>,
    %slice3A_3 = vector.extract_strided_slice %reshape3A {offsets = [0, 1, 0], sizes = [8, 1, 4096], strides = [1, 1, 1]} : vector<8x2x4096xi32> to vector<8x1x4096xi32>
    %squeeze3A_4 = vector.shape_cast %slice3A_3 : vector<8x1x4096xi32> to vector<8x4096xi32>
    %swap3A_5 = arith.constant 0 : index
    %swap3A_6 = arith.constant 0 : index
    %swap3A_7 = vector.load %arg3[%swap3A_5, %swap3A_6] : memref<8x4096xi32, #tpu.memory_space<vmem>>, vector<8x4096xi32>
    tpu.vector_store %arg3[%swap3A_5, %swap3A_6], %squeeze3A_4 {strides = array<i32>} : memref<8x4096xi32, #tpu.memory_space<vmem>>, vector<8x4096xi32>,
    return
  }
  func.func @transform_0(%arg0: i32) -> i32 {
    %c0_i32 = arith.constant 0 : i32
    return %arg0 : i32
  }
  func.func @transform_1(%arg0: i32) -> (i32, i32) {
    %c0_i32 = arith.constant 0 : i32
    %c0_i32_0 = arith.constant 0 : i32
    return %arg0, %c0_i32 : i32, i32
  }
  func.func @transform_2(%arg0: i32) -> (i32, i32) {
    %c0_i32 = arith.constant 0 : i32
    %c0_i32_0 = arith.constant 0 : i32
    return %arg0, %c0_i32 : i32, i32
  }
}

module attributes {stable_mosaic.version = 14 : i64} {
  func.func @_stage_in_body(%arg0: i32, %arg1: memref<8x4096xf32, #tpu.memory_space<vmem>>, %arg2: memref<8x4096xi32, #tpu.memory_space<vmem>>, %arg3: memref<32768xf32, #tpu.memory_space<vmem>>) attributes {dimension_semantics = [#tpu.dimension_semantics<arbitrary>], iteration_bounds = array<i64: 2>, scalar_prefetch = 0 : i64, scratch_operands = 0 : i64, tpu.core_type = #tpu.core_type<tc>, window_params = [{transform_indices = @transform_0, window_bounds = array<i64: 8, 4096>}, {transform_indices = @transform_1, window_bounds = array<i64: 8, 4096>}, {transform_indices = @transform_2, window_bounds = array<i64: 32768>}]} {
    %get3A = arith.constant 0 : index
    %get3A_0 = arith.constant 0 : index
    %get3A_1 = vector.load %arg1[%get3A, %get3A_0] : memref<8x4096xf32, #tpu.memory_space<vmem>>, vector<8x4096xf32>
    %slice3A = vector.extract_strided_slice %get3A_1 {offsets = [0, 1], sizes = [8, 4095], strides = [1, 1]} : vector<8x4096xf32> to vector<8x4095xf32>
    %broadcast_in_dim3A = arith.constant 3.000000e+38 : f32
    %broadcast_in_dim3A_2 = vector.broadcast %broadcast_in_dim3A : f32 to vector<8x1xf32>
    %concatenate3A = tpu.concatenate %slice3A, %broadcast_in_dim3A_2 in 1 : vector<8x4095xf32>, vector<8x1xf32> -> vector<8x4096xf32>
    %add3A = arith.constant 5.000000e-02 : f32
    %add3A_3 = vector.broadcast %add3A : f32 to vector<8x4096xf32>
    %add3A_4 = arith.addf %get3A_1, %add3A_3 : vector<8x4096xf32>
    %gt3A = arith.cmpf ogt, %concatenate3A, %add3A_4 : vector<8x4096xf32>
    %gt3A_5 = arith.constant 8.000000e-01 : f32
    %gt3A_6 = vector.broadcast %gt3A_5 : f32 to vector<8x4096xf32>
    %gt3A_7 = arith.cmpf ogt, %concatenate3A, %gt3A_6 : vector<8x4096xf32>
    %or3A = arith.ori %gt3A, %gt3A_7 : vector<8x4096xi1>
    %swap3A = arith.constant 0 : index
    %swap3A_8 = arith.constant 0 : index
    %swap3A_9 = vector.load %arg2[%swap3A, %swap3A_8] : memref<8x4096xi32, #tpu.memory_space<vmem>>, vector<8x4096xi32>
    %swap3A_10 = arith.extui %or3A : vector<8x4096xi1> to vector<8x4096xi32>
    %swap3A_11 = arith.constant dense<0> : vector<8x4096xi32>
    %swap3A_12 = arith.cmpi ne, %swap3A_9, %swap3A_11 : vector<8x4096xi32>
    tpu.vector_store %arg2[%swap3A, %swap3A_8], %swap3A_10 {strides = array<i32>} : memref<8x4096xi32, #tpu.memory_space<vmem>>, vector<8x4096xi32>,
    %reshape3A = vector.shape_cast %get3A_1 : vector<8x4096xf32> to vector<32768xf32>
    %swap3A_13 = arith.constant 0 : index
    %swap3A_14 = vector.load %arg3[%swap3A_13] : memref<32768xf32, #tpu.memory_space<vmem>>, vector<32768xf32>
    tpu.vector_store %arg3[%swap3A_13], %reshape3A {strides = array<i32>} : memref<32768xf32, #tpu.memory_space<vmem>>, vector<32768xf32>,
    return
  }
  func.func @transform_0(%arg0: i32) -> (i32, i32) {
    %c0_i32 = arith.constant 0 : i32
    %c0_i32_0 = arith.constant 0 : i32
    return %arg0, %c0_i32 : i32, i32
  }
  func.func @transform_1(%arg0: i32) -> (i32, i32) {
    %c0_i32 = arith.constant 0 : i32
    %c0_i32_0 = arith.constant 0 : i32
    return %arg0, %c0_i32 : i32, i32
  }
  func.func @transform_2(%arg0: i32) -> i32 {
    %c0_i32 = arith.constant 0 : i32
    return %arg0 : i32
  }
}

</mosaic_0001>

<sc_bundles>
// kernel: _segmenter.5.cloned.1.call-start
scs
__scs_entry_jumppad:
0x0: {  	(pc) =	sbr.rel $0x88, $3  }
0x1: {  	(tag) =	ssettag $0x0;
	lr =	simm.s32 $0x1  }
0x2: {  	[smem:$0x3FA0] =	sst lr;
	_ =	strace $0xD0000000  }
0x3: {  	_ = 	snop  }
0x4: {  	_ = 	snop  }
0x5: {  	_ = 	snop  }
0x6: {  	_ = 	snop  }
0x7: {  	_ = 	snop  }
__scs_overlays_trampoline_lowered:
0x8: {  	[smem:$0x3FAF] =	sst s0  }
0x9: {  	[smem:$0x3FB0] =	sst s1  }
0xa: {  	[smem:$0x3FB1] =	sst s2  }
0xb: {  	[smem:$0x3FB2] =	sst s3  }
0xc: {  	[smem:$0x3FB3] =	sst s4  }
0xd: {  	[smem:$0x3FB4] =	sst s5  }
0xe: {  	[smem:$0x3FB5] =	sst s6  }
0xf: {  	[smem:$0x3FB6] =	sst s7  }
0x10: {  	[smem:$0x3FB7] =	sst s8  }
0x11: {  	[smem:$0x3FB8] =	sst s9;
	s0 =	simm.s32 @!p0 $0x0  }
0x12: {  	s1 =	sld [smem:$0x3F9E];
	s0 =	simm.s32 @p0 $0x1  }
0x13: {  	[smem:$0x3FB9] =	sst s0;
	s0 =	simm.s32 @!p1 $0x0  }
0x14: {  	s2 =	sld [smem:$0x3F9D];
	s0 =	simm.s32 @p1 $0x1  }
0x15: {  	[smem:$0x3FBA] =	sst s0;
	s0 =	simm.s32 @!p2 $0x0  }
0x16: {  	s3 =	sld [smem:$0x3FDB];
	s0 =	simm.s32 @p2 $0x1  }
0x17: {  	s4 =	simm.s32 $0x1BF5;
	[smem:$0x3FBC] =	sst s0  }
0x18: {  	s0 =	sld [smem:$0x3F9F];
	_ =	swait.ge [sflag:s4], $0x0  }
0x19: {  	s7 =	sld [smem:$0x3FA0]  }
0x1a: {  	s8 =	sadd.s32 $0xFFFFE003, lr  }
0x1b: {  	s9 =	sadd.s32 $0xFFFFFEF7, lr;
	s5 =	simm.s32 $0xFFFFFFFF;
	p2 =	slt.u32 s8, $0xFFFFF086  }
0x1c: {  	p1 =	slt.u32 s9, $0xF7A;
	s5 =	simm.s32 @!p2 $0x0  }
0x1d: {  	s5 =	simm.s32 @p1 $0x1;
	p0 =	seq.s32 s7, s2  }
0x1e: {  	s7 =	smul.u32 @!p0 $0xF7A, s2;
	p2 =	seq.s32 @!p0 s5, $0x0  }
0x1f: {  	s9 =	smul.u32 $0xF7A, s1;
	s8 =	simm.s32 @!p0 $0x1BF5;
	p2 =	por !p2, p0  }
0x20: {  	[sflag:s8] =	ssyncset.s32 @!p0 $0xFFFFF086;
	s6 =	sadd.s32 @!p0 s3, s7;
	s7 =	simm.s32 @!p0 $0x108  }
0x21: {  	s3 =	sadd.s32 s3, s9;
	s6 =	sadd.s32 @!p0 $0x88, s6;
	s7 =	simm.s32 @p2 $0x1082  }
0x22: {  	[simem:s7], [sflag:s8] =	dma.local @!p0 [hbm:s6], $0xF7A  }
0x23: {  	s9 =	sor.u32 $0xD0000000, s2;
	s6 =	simm.s32 $0x108;
	_ =	swait.ge @!p0 [sflag:s8], $0x0  }
0x24: {  	s3 =	sadd.s32 $0x88, s3;
	s6 =	simm.s32 @!p1 $0x1082;
	[sflag:s4] =	ssyncset.s32 $0xFFFFF086  }
0x25: {  	[simem:s6], [sflag:s4] =	dma.local [hbm:s3], $0xF7A  }
0x26: {  	[smem:$0x3FA0] =	sst s1;
	(tag) =	ssettag s2;
	_ =	strace s9  }
0x27: {  	s1 =	sld [smem:$0x3FB0]  }
0x28: {  	s2 =	sld [smem:$0x3FB1]  }
0x29: {  	s4 =	sld [smem:$0x3FB3]  }
0x2a: {  	p0 =	seq.s32 s5, $0x0;
	s5 =	sld [smem:$0x3FB4]  }
0x2b: {  	s6 =	sld [smem:$0x3FB5]  }
0x2c: {  	s7 =	sld [smem:$0x3FB6]  }
0x2d: {  	s3 =	simm.s32 $0x108;
	s8 =	sld [smem:$0x3FB7]  }
0x2e: {  	s3 =	simm.s32 @!p0 $0x1082;
	s9 =	sld [smem:$0x3FB8]  }
0x2f: {  	lr =	sadd.s32 s0, s3;
	s0 =	sld [smem:$0x3FAF]  }
0x30: {  	s3 =	sld [smem:$0x3FB2]  }
0x31: {  	[smem:$0x3FBB] =	sst s10  }
0x32: {  	s10 =	sld [smem:$0x3FB9];
	_ =	sdelay $0x3  }
0x33: {  	p0 =	seq.s32 s10, $0x1;
	s10 =	sld [smem:$0x3FBB];
	_ =	sdelay $0x3  }
0x34: {  	[smem:$0x3FBB] =	sst s10  }
0x35: {  	s10 =	sld [smem:$0x3FBA];
	_ =	sdelay $0x3  }
0x36: {  	p1 =	seq.s32 s10, $0x1;
	s10 =	sld [smem:$0x3FBB];
	_ =	sdelay $0x3  }
0x37: {  	[smem:$0x3FBB] =	sst s10  }
0x38: {  	s10 =	sld [smem:$0x3FBC]  }
0x39: {  	_ = 	snop;
	(pc) =	sbr.ind lr, $3  }
0x3a: {  	_ = 	snop  }
0x3b: {  	_ = 	snop  }
0x3c: {  	p2 =	seq.s32 s10, $0x1;
	s10 =	sld [smem:$0x3FBB]  }
0x3d: {  	_ =	shalt  }
0x3e: {  	_ =	shalt  }
0x3f: {  	_ =	shalt  }
0x40: {  	_ =	shalt  }
0x41: {  	_ =	shalt  }
0x42: {  	_ =	shalt  }
0x43: {  	_ =	shalt  }
0x44: {  	_ =	shalt  }
0x45: {  	_ =	shalt  }
0x46: {  	_ =	shalt  }
0x47: {  	_ =	shalt  }
0x48: {  	_ =	shalt  }
0x49: {  	_ =	shalt  }
0x4a: {  	_ =	shalt  }
0x4b: {  	_ =	shalt  }
0x4c: {  	_ =	shalt  }
0x4d: {  	_ =	shalt  }
0x4e: {  	_ =	shalt  }
0x4f: {  	_ =	shalt  }
0x50: {  	_ =	shalt  }
0x51: {  	_ =	shalt  }
0x52: {  	_ =	shalt  }
0x53: {  	_ =	shalt  }
0x54: {  	_ =	shalt  }
0x55: {  	_ =	shalt  }
0x56: {  	_ =	shalt  }
0x57: {  	_ =	shalt  }
0x58: {  	_ =	shalt  }
0x59: {  	_ =	shalt  }
0x5a: {  	_ =	shalt  }
0x5b: {  	_ =	shalt  }
0x5c: {  	_ =	shalt  }
0x5d: {  	_ =	shalt  }
0x5e: {  	_ =	shalt  }
0x5f: {  	_ =	shalt  }
0x60: {  	_ =	shalt  }
0x61: {  	_ =	shalt  }
0x62: {  	_ =	shalt  }
0x63: {  	_ =	shalt  }
0x64: {  	_ =	shalt  }
0x65: {  	_ =	shalt  }
0x66: {  	_ =	shalt  }
0x67: {  	_ =	shalt  }
0x68: {  	_ =	shalt  }
0x69: {  	_ =	shalt  }
0x6a: {  	_ =	shalt  }
0x6b: {  	_ =	shalt  }
0x6c: {  	_ =	shalt  }
0x6d: {  	_ =	shalt  }
0x6e: {  	_ =	shalt  }
0x6f: {  	_ =	shalt  }
0x70: {  	_ =	shalt  }
0x71: {  	_ =	shalt  }
0x72: {  	_ =	shalt  }
0x73: {  	_ =	shalt  }
0x74: {  	_ =	shalt  }
0x75: {  	_ =	shalt  }
0x76: {  	_ =	shalt  }
0x77: {  	_ =	shalt  }
0x78: {  	_ =	shalt  }
0x79: {  	_ =	shalt  }
0x7a: {  	_ =	shalt  }
0x7b: {  	_ =	shalt  }
0x7c: {  	_ =	shalt  }
0x7d: {  	_ =	shalt  }
0x7e: {  	_ =	shalt  }
0x7f: {  	_ =	shalt  }
0x80: {  	_ =	shalt  }
0x81: {  	_ =	shalt  }
0x82: {  	_ =	shalt  }
0x83: {  	_ =	shalt  }
0x84: {  	_ =	shalt  }
0x85: {  	_ =	shalt  }
0x86: {  	_ =	shalt  }
0x87: {  	_ =	shalt  }
.Lfunc_end0:
.L_simem_size_0:
called_computation_lowered:
.L_overlay_start_0:
0x88: {  	s0 =	sld [smem:$0x3FD9]  }
0x89: {  	s1 =	sld [smem:$0x3FFE];
	_ =	sdelay $0x3  }
0x8a: {  	s0 =	sadd.s32 s1, s0  }
0x8b: {  	[smem:$0x3FC7] =	sst s0  }
0x8c: {  	_ = 	snop  }
0x8d: {  	s0 =	sld [smem:$0x3FD0];
	_ =	sdelay $0x2  }
0x8e: {  	s13 =	simm.s32 $0xA;
	s2 =	simm.s32 $0x10  }
0x8f: {  	[smem:s2], [sflag:s13] =	dma.local [hbm:s0], $0x1  }
0x90: {  	_ =	swait.eq [sflag:s13], $0x1  }
0x91: {  	[sflag:s13] =	ssyncset.done $0x0  }
0x92: {  	[sflag:s13] =	ssyncadd.s32 $0xFFFFFFFF  }
0x93: {  	s14 =	sld [smem:$0x12];
	(tm) =	ssettm $0x1  }
0x94: {  	s15 =	sld [smem:$0x3FFB];
	_ =	sdelay $0x3  }
0x95: {  	_ =	strace s15  }
0x96: {  	s1 =	sld [smem:$0x3FFC];
	_ =	sdelay $0x3  }
0x97: {  	_ =	strace s1  }
0x98: {  	s1 =	sld [smem:$0x3FFD];
	_ =	sdelay $0x3  }
0x99: {  	_ =	strace s1  }
0x9a: {  	_ =	strace $0x8FFFFFFF  }
0x9b: {  	s16 =	sld [smem:$0x3FDB];
	_ =	sdelay $0x1  }
0x9c: {  	s17 =	simm.s32 $_scs_section_size  }
0x9d: {  	s3 =	simm.s32 $_size__tile_overlayer_lowered;
	s4 =	simm.s32 $_tile_overlayer_lowered  }
0x9e: {  	s20 =	simm.s32 $0x1BFF;
	s19 =	sshll.u32 s4, $0x1;
	s1 =	sadd.s32 s17, s16  }
0x9f: {  	s5 =	simm.s32 $0x0;
	s18 =	sshll.u32 s3, $0x1;
	s3 =	sadd.s32 s19, s1  }
0xa0: {  	[timem:s5], [sflag:s20] =	dma.local [hbm:s3], s18  }
0xa1: {  	_ =	swait.ge [sflag:s20], s18  }
0xa2: {  	s2 =	ssub.s32 $0x0, s18;
	[sflag:s20] =	ssyncset.done $0x0  }
0xa3: {  	[sflag:s20] =	ssyncadd.s32 s2;
	_ =	sdelay $0x1  }
0xa4: {  	s21 =	simm.s32 $0x1B8B  }
0xa5: {  	_ =	swait.ge [sflag:s21], $0x1  }
0xa6: {  	[sflag:s21] =	ssyncset.done $0x0  }
0xa7: {  	s23 =	simm.s32 $0x1B8E;
	s22 =	sld [smem:$0x3FFE];
	[sflag:s21] =	ssyncadd.s32 $0xFFFFFFFF  }
0xa8: {  	s24 =	simm.s32 $execute0_lowered;
	[smem:$0x3FD2] =	sst s23  }
0xa9: {  	s3 =	sshll.u32 s24, $0x1;
	_ =	strace $0x80000046;
	[dreg:$0x1] =	wrdreg $0xFFFFFFFF  }
0xaa: {  	s25 =	simm.s32 $_size_execute0_lowered;
	s1 =	sadd.s32 s1, s3;
	[dreg:$0x0] =	wrdreg $0x0  }
0xab: {  	s3 =	sshll.u32 s25, $0x1;
	[dreg:$0x2] =	wrdreg s1  }
0xac: {  	[dreg:$0x3] =	wrdreg s3  }
0xad: {  	[dreg:$0x4] =	wrdreg $0xC0  }
0xae: {  	_ =	task [dreg:s5], $0x5FFFF  }
0xaf: {  	[dreg:$0x1] =	wrdreg $0xFFFFFFFF  }
0xb0: {  	[dreg:$0x0] =	wrdreg $0x60  }
0xb1: {  	[dreg:$0x2] =	wrdreg s14  }
0xb2: {  	[dreg:$0x3] =	wrdreg s22  }
0xb3: {  	[dreg:$0x4] =	wrdreg $0x9  }
0xb4: {  	_ =	task.clear_ibuf [dreg:s5], $0x5FFFF;
	_ =	strace $0x90000046  }
0xb5: {  	s26 =	simm.s32 $0x9;
	_ =	strace $0x80000048  }
0xb6: {  	_ =	swait.ge [sflag:s26], $0x1  }
0xb7: {  	[sflag:s26] =	ssyncadd.s32 $0xFFFFFFFF  }
0xb8: {  	_ =	strace $0x90000048  }
0xb9: {  	_ =	sfence  }
0xba: {  	s28 =	sld [smem:$0x0];
	_ =	sdelay $0x1  }
0xbb: {  	s29 =	srdreg.scid  }
0xbc: {  	s30 =	sshll.u32 s29, $0xD;
	s31 =	sshrl.u32 s29, $0x2  }
0xbd: {  	s2 =	sand.u32 $0x4000, s30;
	s1 =	sand.u32 $0x1, s29;
	s0 =	sadd.s32 s31, s28  }
0xbe: {  	s1 =	sor.u32 s2, s1;
	s0 =	sshll.u32 s0, $0x11  }
0xbf: {  	s0 =	sor.u32 s0, s1  }
0xc0: {  	s0 =	sadd.s32 $0x8F2B, s0  }
0xc1: {  	[sflag:s0] =	ssyncadd.remote.s32 $0x1  }
0xc2: {  	_ =	sfence.sel $0xFFFF  }
0xc3: {  	[dreg:$0x0] =	wrdreg $0xFFFFFFFF;
	(pc) =	sbr.abs _section_cstart, $3  }
0xc4: {  	[dreg:$0x1] =	wrdreg $0xFFFFFFFF  }
0xc5: {  	_ =	task.clear_ibuf [dreg:s5], $0x2FFFF;
	_ =	strace $0x9FFFFFFF  }
0xc6: {  	(tm) =	ssettm $0x7FFFFFFF  }
0xc7: {  	_ =	shalt  }
tec
execute0_lowered:
.L_overlay_start_1:
0x0: {  	(tag) =	ssettag $0x1  }
0x1: {  	s2 =	rddreg [dreg:$0x0]  }
0x2: {  	s4 =	rddreg [dreg:$0x1]  }
0x3: {  	s0 =	rddreg [dreg:$0x2];
	s6 =	simm.s32 $0x0;
	s1 =	stileid.u32  }
0x4: {  	v0 =	vimm.f32 $-3.000000010e+38;
	s31 =	simm.s32 $0x1;
	[smem:$0x7FF] =	sst s6;
	s3 =	sshll.u32 s1, $0x9  }
0x5: {  	_ =	strace $0x80000047;
	s3 =	sadd.s32 s2, s3;
	[tilespmem:$0x0] =	vst v0;
	s2 =	simm.s32 $0x10  }
0x6: {  	[tilespmem:s2], [sflag:$0x1] =	stream.linear.gather [hbm4b:s3+s6], $0x1000, $0x38;
	[tilespmem:$0x3080] =	vst v63  }
0x7: {  	_ =	swait.ge [sflag:s31], $0x1000  }
0x8: {  	[sflag:s31] =	ssyncset.done $0x0  }
0x9: {  	[sflag:s31] =	ssyncadd.s32 $0xFFFFF000  }
0xa: {  	v0 =	vld [tilespmem:s2+$0xFFFFFFFF];
	_ =	sdelay $0x1  }
0xb: {  	v1 =	vld [tilespmem:s2+$0x0];
	_ =	sdelay $0x2  }
0xc: {  	v2 =	vadd.f32 $5.000000070e-02, v0  }
0xd: {  	v3 =	vlaneseq.u32  }
0xe: {  	v0 =	vor.u32 $0x80000000, v3;
	vm1 =	vgt.f32 v1, $8.000000110e-01;
	vm0 =	vgt.f32 v1, v2  }
0xf: {  	v2 =	vor.u32 s6, v0;
	vm0 =	vmor vm0, vm1  }
0x10: {  	v1 =	vimm.s32 $0x0;
	v2 =	vnsel vm0, $0x80000000, v2  }
0x11: {  	v3 =	vmul.u32 $0xFFFFFFFF, v3;
	v4 =	vsel vm0, $0x1, v1;
	(xrf0) =	vmax.scan.msk.u32 $0xffff, v2  }
0x12: {  	(xrf0) =	vadd.scan.msk.s32 $0xffff, v4  }
0x13: {  	v2 =	vadd.s32 $0xF, v3  }
0x14: {  	v3 =	vperm.xlane v4, v2;
	_ =	sdelay $0x1  }
0x15: {  	v4 =	vmpcnt.ones.xlane vm0;
	vm13 =	vne.s32 v3, $0x0  }
0x16: {  	v3 =	vmctz.xlane vm13;
	v5, _, _ =	vpop (xrf0)  }
0x17: {  	v6 =	vimm.s32 $0xFFFFFFFF;
	s5 =	simm.s32 $0xF;
	vm14 =	vgt.s32 v4, $0x0;
	v5 =	vxor.u32 $0x80000000, v5;
	v7, _, _ =	vpop (xrf0)  }
0x18: {  	s3 =	simm.s32 $0x1080;
	v8 =	vsub.s32 s5, v3;
	v7 =	vadd.s32 v6, v7;
	vm15 =	vgt.s32 v5, v1  }
0x19: {  	s4 =	sadd.s32 $0xE00, s4;
	s6 =	sand.u32 $0xFF0, s6;
	v3 =	vadd.s32 v6, v4;
	s5 =	simm.s32 $0x10;
	v4 =	vsel vm14, v8, v1;
	[tilespmem:s3+$0x0] =	vst v7;
	v5 =	vsel vm15, v5, v1  }
.LBB2_1:
0x1a: {  	p0 =	sne.s32 s5, $0xFF0;
	[tilespmem:s6+$0x2080] =	vst v5;
	s3 =	sadd.s32 $0x10, s3;
	s2 =	sadd.s32 $0x10, s2;
	v5 =	vmov v3;
	v6 =	vmov v4  }
0x1b: {  	s6 =	smov.u32 s5;
	s5 =	sadd.s32 $0x10, s5;
	v7 =	vld [tilespmem:s2+$0xFFFFFFFF];
	_ =	sdelay $0x1  }
0x1c: {  	v8 =	vld [tilespmem:s2+$0x0];
	_ =	sdelay $0x2  }
0x1d: {  	v7 =	vadd.f32 $5.000000070e-02, v7;
	_ =	sdelay $0x1  }
0x1e: {  	vm0 =	vgt.f32 v8, v7;
	vm1 =	vgt.f32 v8, $8.000000110e-01  }
0x1f: {  	v7 =	vor.u32 s6, v0;
	vm0 =	vmor vm0, vm1  }
0x20: {  	v8 =	vsel vm0, $0x1, v1;
	v7 =	vnsel vm0, $0x80000000, v7;
	v9 =	vmpcnt.ones.xlane vm0  }
0x21: {  	v10 =	vperm.xlane v8, v2;
	(xrf0) =	vmax.scan.msk.u32 $0xffff, v7  }
0x22: {  	v3 =	vadd.s32 v3, v9;
	(xrf0) =	vadd.scan.msk.s32 $0xffff, v8  }
0x23: {  	vm0 =	vne.s32 v10, $0x0  }
0x24: {  	v10 =	vmctz.xlane vm0  }
0x25: {  	s7 =	sadd.s32 $0xF, s6  }
.Ltmp0:
0x26: {  	vm0 =	vgt.s32 v9, $0x0;
	v9 =	vsub.s32 s7, v10;
	(pc) =	sbr.rel @p0 .LBB2_1-.Ltmp0, $4  }
0x27: {  	v4 =	vsel vm0, v9, v4;
	v7, _, _ =	vpop (xrf0)  }
0x28: {  	v7 =	vxor.u32 $0x80000000, v7;
	v8, _, _ =	vpop (xrf0)  }
0x29: {  	v5 =	vadd.s32 v5, v8;
	vm0 =	vgt.s32 v7, v6  }
0x2a: {  	s6 =	sand.u32 $0xFF0, s6;
	[tilespmem:s3+$0x0] =	vst v5;
	v5 =	vsel vm0, v7, v6  }
0x2b: {  	s2 =	sshll.u32 s1, $0xA;
	s3 =	simm.s32 $0x0  }
0x2c: {  	[tilespmem:s6+$0x2080] =	vst v5;
	s30 =	simm.s32 $0x1080;
	s31 =	simm.s32 $0x1;
	s2 =	sadd.s32 s4, s2  }
0x2d: {  	[hbm4b:s2+s3] =	stream.linear.scatter [tilespmem:s30], [sflag:$0x1], $0x2000, $0x38;
	[tilespmem:$0x3080] =	vst v63  }
0x2e: {  	_ =	swait.ge [sflag:s31], $0x2000  }
0x2f: {  	[sflag:s31] =	ssyncset.done $0x0  }
0x30: {  	[sflag:s31] =	ssyncadd.s32 $0xFFFFE000  }
0x31: {  	_ =	sfence.sel $0x180000  }
0x32: {  	[bflag:$0x0] =	sbarrier.arrive $0xFFFF  }
0x33: {  	p0 =	sne.s32 s1, $0x0;
	_ =	strace $0x90000047  }
0x34: {  	s0 =	sadd.s32 @!p0 $0x100000, s0;
	[bflag:$0x2] =	sbarrier.arrive $0xFFFF  }
0x35: {  	[sflag:s0] =	ssyncadd.tile.s32 @!p0 $0x1;
	_ =	shalt  }
.Lfunc_end2:
_tile_overlayer_lowered:
.L_overlay_start_2:
0x36: {  	(tag) =	ssettag $0x2  }
0x37: {  	s0 =	rddreg [dreg:$0x0];
	s2 =	stileid.u32  }
0x38: {  	s1 =	rddreg [dreg:$0x1];
	p0 =	sne.s32 s2, $0x0  }
0x39: {  	s3 =	rddreg [dreg:$0x2];
	[bflag:$0x3] =	sbarrier.arrive $0xFFFF;
	s2 =	simm.s32 @!p0 $0x1C01  }
0x3a: {  	[timem:s3], [sflag:s2] =	dma.local @!p0 [hbm:s0], s1  }
0x3b: {  	s0 =	simm.s32 @!p0 $0x1  }
0x3c: {  	_ =	swait.ge @!p0 [sflag:s0], s1  }
0x3d: {  	s1 =	ssub.s32 @!p0 $0x0, s1;
	[sflag:s0] =	ssyncset.done @!p0 $0x0  }
0x3e: {  	[sflag:s0] =	ssyncadd.s32 @!p0 s1  }
0x3f: {  	[bflag:$0x3] =	sbarrier.arrive $0xFFFF  }
0x40: {  	_ =	shalt  }

</sc_bundles>
